<compile_context>
chip_gen: v7x
topology: tpu7x:2x2x1
jax: 0.10.2.dev20260603
libtpu: 0.0.44.dev20260713+nightly
codegen_flags: <defaults>
</compile_context>

<pallas_src>
import functools

import jax
import jax.numpy as jnp
from jax import lax
from jax.experimental import pallas as pl
from jax.experimental.pallas import tpu as pltpu
from jax.experimental.pallas import tpu_sc as plsc

OUT_F = 4096
IN_F = 4096
CODESZ = 8
GRID_K = 65536

NC = 2
NS = 16
NW = NC * NS

TOTAL_IDX = OUT_F * (IN_F // CODESZ)
IDX_PER_W = TOTAL_IDX // NW
CHUNK = 4096
N_CHUNKS = IDX_PER_W // CHUNK
NBUF = 2


def _scale_body(s_ref, g_ref, o_ref):
    o_ref[...] = g_ref[...] * s_ref[0]


def _scale_table(scale, grid_rs):
    return pl.pallas_call(
        _scale_body,
        out_shape=jax.ShapeDtypeStruct(grid_rs.shape, jnp.float32),
        in_specs=[
            pl.BlockSpec(memory_space=pltpu.SMEM),
            pl.BlockSpec(memory_space=pltpu.VMEM),
        ],
        out_specs=pl.BlockSpec(memory_space=pltpu.VMEM),
    )(scale, grid_rs)


_MESH = plsc.VectorSubcoreMesh(
    core_axis_name="c", subcore_axis_name="s", num_cores=NC, num_subcores=NS
)


@functools.partial(
    pl.kernel,
    out_type=jax.ShapeDtypeStruct((TOTAL_IDX, CODESZ), jnp.float32),
    mesh=_MESH,
    scratch_types=[
        pltpu.VMEM((NBUF, CHUNK), jnp.int32),
        pltpu.VMEM((NBUF, CHUNK, CODESZ), jnp.float32),
        pltpu.VMEM_SHARED((GRID_K, CODESZ), jnp.float32),
        pltpu.SemaphoreType.DMA,
        pltpu.SemaphoreType.DMA((NBUF,)),
        pltpu.SemaphoreType.DMA((NBUF,)),
    ],
    compiler_params=pltpu.CompilerParams(use_tc_tiling_on_sc=False),
)
def _sc_gather(tab_hbm, wq_hbm, out_hbm, idx_v, rows_v, tab_sp,
               sem_i, sem_g, sem_o):
    s = lax.axis_index("s")
    wid = s * NC + lax.axis_index("c")
    base0 = wid * IDX_PER_W

    tr = GRID_K // NS
    pltpu.sync_copy(tab_hbm.at[pl.ds(s * tr, tr)], tab_sp.at[pl.ds(s * tr, tr)])
    plsc.subcore_barrier()

    def idx_src(k):
        return wq_hbm.at[pl.ds(base0 + k * CHUNK, CHUNK)]

    def out_dst(k):
        return out_hbm.at[pl.ds(base0 + k * CHUNK, CHUNK)]

    for b in range(NBUF):
        pltpu.async_copy(idx_src(b), idx_v.at[b], sem_i)
    pltpu.make_async_copy(idx_src(0), idx_v.at[0], sem_i).wait()
    pltpu.async_copy(tab_sp.at[idx_v.at[0]], rows_v.at[0], sem_g.at[0])

    def body(k0, carry):
        for b in range(NBUF):
            k = NBUF * k0 + b
            b1 = (b + 1) % NBUF

            @pl.when(k + 1 < N_CHUNKS)
            def _():
                pltpu.make_async_copy(idx_src(0), idx_v.at[b1], sem_i).wait()

                @pl.when(k + 1 >= NBUF)
                def _():
                    pltpu.make_async_copy(
                        rows_v.at[b1], out_dst(0), sem_o.at[b1]).wait()

                pltpu.async_copy(
                    tab_sp.at[idx_v.at[b1]], rows_v.at[b1], sem_g.at[b1])

            pltpu.make_async_copy(
                tab_sp.at[idx_v.at[b]], rows_v.at[b], sem_g.at[b]).wait()

            @pl.when(k + NBUF < N_CHUNKS)
            def _():
                pltpu.async_copy(idx_src(k + NBUF), idx_v.at[b], sem_i)

            pltpu.async_copy(rows_v.at[b], out_dst(k), sem_o.at[b])
        return carry

    lax.fori_loop(0, N_CHUNKS // NBUF, body, 0)

    for k in range(N_CHUNKS - N_CHUNKS % NBUF, N_CHUNKS):
        b = k % NBUF
        b1 = (b + 1) % NBUF

        if k + 1 < N_CHUNKS:
            pltpu.make_async_copy(idx_src(0), idx_v.at[b1], sem_i).wait()
            pltpu.make_async_copy(
                rows_v.at[b1], out_dst(0), sem_o.at[b1]).wait()
            pltpu.async_copy(
                tab_sp.at[idx_v.at[b1]], rows_v.at[b1], sem_g.at[b1])

        pltpu.make_async_copy(
            tab_sp.at[idx_v.at[b]], rows_v.at[b], sem_g.at[b]).wait()
        pltpu.async_copy(rows_v.at[b], out_dst(k), sem_o.at[b])

    for b in range(NBUF):
        pltpu.make_async_copy(rows_v.at[b], out_dst(0), sem_o.at[b]).wait()


def kernel(weight_q, scale, grid):
    wq = weight_q.astype(jnp.int32).reshape(-1)
    grid_rs = grid.reshape(GRID_K * CODESZ // 128, 128)
    tab = _scale_table(scale, grid_rs).reshape(GRID_K, CODESZ)
    out = _sc_gather(tab, wq)
    return out.reshape(OUT_F, IN_F)

# --- scband reference (transcript-rebuilt; emitter-appended) ---
"""Pipeline reference for scband-e8-pquantized-weights-29317446762951 (READ-ONLY COPY).

The authoritative reference and input builder live on the scoring server;
editing this copy changes nothing except your own understanding.
"""

import jax, jax.numpy as jnp
import numpy as np

OUT_FEATURES = 4096
IN_FEATURES = 4096
CODESZ = 8
GRID_K = 65536

def setup_inputs(seed: int = 0) -> dict:
    key = jax.random.key(seed)
    k1, k2, k3 = jax.random.split(key, 3)
    weight_q = jax.random.randint(k1, (OUT_FEATURES, IN_FEATURES // CODESZ), 0, GRID_K, dtype=jnp.int32).astype(jnp.int64)
    scale = jax.random.uniform(k2, (1,), dtype=jnp.float32)
    grid = jax.random.normal(k3, (GRID_K, CODESZ), dtype=jnp.float32)
    return {"weight_q": weight_q, "scale": scale, "grid": grid}

def reference(weight_q, scale, grid):
    # dequantize: grid[weight_q] -> [out, in//8, 8] -> reshape [out, in], times scale
    codes = jnp.take(grid, weight_q.astype(jnp.int32), axis=0)
    w = codes.reshape(OUT_FEATURES, IN_FEATURES) * scale
    return w.astype(jnp.float32)

if __name__ == "__main__":
    import jax
    _d = setup_inputs()
    print(jax.jit(kernel)(*tuple(_d.values())))

</pallas_src>

<mosaic_0001>
#map = affine_map<(d0, d1) -> (0, 0)>
#map1 = affine_map<(d0, d1) -> (0)>
module attributes {stable_mosaic.version = 14 : i64} {
  func.func @_sc_gather(%arg0: i32, %arg1: i32, %arg2: memref<65536x8xf32, #tpu.memory_space<hbm>>, %arg3: memref<2097152xi32, #tpu.memory_space<hbm>>, %arg4: memref<2097152x8xf32, #tpu.memory_space<hbm>>, %arg5: memref<2x4096xi32, #tpu.memory_space<vmem>>, %arg6: memref<2x4096x8xf32, #tpu.memory_space<vmem>>, %arg7: memref<65536x8xf32, #tpu.memory_space<vmem_shared>>, %arg8: memref<!tpu.dma_semaphore, #tpu.memory_space<semaphore_mem>>, %arg9: memref<2x!tpu.dma_semaphore, #tpu.memory_space<semaphore_mem>>, %arg10: memref<2x!tpu.dma_semaphore, #tpu.memory_space<semaphore_mem>>) attributes {dimension_semantics = [#tpu.dimension_semantics<core_parallel>, #tpu.dimension_semantics<subcore_parallel>], iteration_bounds = array<i64: 2, 16>, scalar_prefetch = 0 : i64, scratch_operands = 6 : i64, tpu.core_type = #tpu.core_type<sc_vector_subcore>, window_params = [{transform_indices = #map}, {transform_indices = #map1}, {transform_indices = #map}]} {
    %mul3A = arith.constant 2 : i32
    %mul3A_0 = arith.muli %arg1, %mul3A : i32
    %add3A = arith.addi %mul3A_0, %arg0 : i32
    %mul3A_1 = arith.constant 65536 : i32
    %mul3A_2 = arith.muli %add3A, %mul3A_1 : i32
    %mul3A_3 = arith.constant 4096 : i32
    %mul3A_4 = arith.muli %arg1, %mul3A_3 : i32
    %mul3A_5 = arith.constant 4096 : i32
    %mul3A_6 = arith.muli %arg1, %mul3A_5 : i32
    "tpu.region"() ({
      %run_scoped3A = tpu.sem_alloc : memref<!tpu.dma_semaphore, #tpu.memory_space<semaphore_mem>>
      %dma_start3A_94 = arith.constant 0 : i32
      %dma_start3A_95 = tpu.memref_slice %arg7[%mul3A_6, %dma_start3A_94] : memref<65536x8xf32, #tpu.memory_space<vmem_shared>> -> memref<4096x8xf32, #tpu.memory_space<vmem_shared>>
      %dma_start3A_96 = arith.constant 0 : i32
      %dma_start3A_97 = tpu.memref_slice %arg2[%mul3A_4, %dma_start3A_96] : memref<65536x8xf32, #tpu.memory_space<hbm>> -> memref<4096x8xf32, #tpu.memory_space<hbm>>
      tpu.enqueue_dma source(%dma_start3A_97 : memref<4096x8xf32, #tpu.memory_space<hbm>>) target(%dma_start3A_95 : memref<4096x8xf32, #tpu.memory_space<vmem_shared>>) target_semaphore(%run_scoped3A : memref<!tpu.dma_semaphore, #tpu.memory_space<semaphore_mem>>)
      %dma_wait3A_98 = arith.constant 0 : i32
      %dma_wait3A_99 = tpu.memref_slice %arg7[%mul3A_6, %dma_wait3A_98] : memref<65536x8xf32, #tpu.memory_space<vmem_shared>> -> memref<4096x8xf32, #tpu.memory_space<vmem_shared>>
      %dma_wait3A_100 = arith.constant 0 : i32
      %dma_wait3A_101 = tpu.memref_slice %arg2[%mul3A_4, %dma_wait3A_100] : memref<65536x8xf32, #tpu.memory_space<hbm>> -> memref<4096x8xf32, #tpu.memory_space<hbm>>
      tpu.wait_dma2 semaphore(%run_scoped3A : memref<!tpu.dma_semaphore, #tpu.memory_space<semaphore_mem>>) src(%dma_wait3A_101 : memref<4096x8xf32, #tpu.memory_space<hbm>>) dst(%dma_wait3A_99 : memref<4096x8xf32, #tpu.memory_space<vmem_shared>>)
      tpu.yield
    }) : () -> ()
    %barrier3A = arith.constant 0 : index
    tpu.barrier barrier_id(%barrier3A)
    %add3A_7 = arith.constant 0 : i32
    %add3A_8 = arith.addi %mul3A_2, %add3A_7 : i32
    %dma_start3A = arith.constant 0 : i32
    %dma_start3A_9 = arith.constant 0 : i32
    %dma_start3A_10 = tpu.memref_slice %arg5[%dma_start3A, %dma_start3A_9] : memref<2x4096xi32, #tpu.memory_space<vmem>> -> memref<1x4096xi32, #tpu.memory_space<vmem>>
    %dma_start3A_11 = tpu.memref_squeeze %dma_start3A_10 : memref<1x4096xi32, #tpu.memory_space<vmem>> -> memref<4096xi32, #tpu.memory_space<vmem>>
    %dma_start3A_12 = tpu.memref_slice %arg3[%add3A_8] : memref<2097152xi32, #tpu.memory_space<hbm>> -> memref<4096xi32, #tpu.memory_space<hbm>>
    %dma_start3A_13 = arith.constant 0 : i32
    %dma_start3A_14 = tpu.memref_slice %arg5[%dma_start3A, %dma_start3A_13] : memref<2x4096xi32, #tpu.memory_space<vmem>> -> memref<1x4096xi32, #tpu.memory_space<vmem>>
    %dma_start3A_15 = tpu.memref_squeeze %dma_start3A_14 : memref<1x4096xi32, #tpu.memory_space<vmem>> -> memref<4096xi32, #tpu.memory_space<vmem>>
    %dma_start3A_16 = tpu.memref_slice %arg3[%add3A_8] : memref<2097152xi32, #tpu.memory_space<hbm>> -> memref<4096xi32, #tpu.memory_space<hbm>>
    tpu.enqueue_dma source(%dma_start3A_16 : memref<4096xi32, #tpu.memory_space<hbm>>) target(%dma_start3A_15 : memref<4096xi32, #tpu.memory_space<vmem>>) target_semaphore(%arg8 : memref<!tpu.dma_semaphore, #tpu.memory_space<semaphore_mem>>)
    %add3A_17 = arith.constant 4096 : i32
    %add3A_18 = arith.addi %mul3A_2, %add3A_17 : i32
    %dma_start3A_19 = arith.constant 1 : i32
    %dma_start3A_20 = arith.constant 0 : i32
    %dma_start3A_21 = tpu.memref_slice %arg5[%dma_start3A_19, %dma_start3A_20] : memref<2x4096xi32, #tpu.memory_space<vmem>> -> memref<1x4096xi32, #tpu.memory_space<vmem>>
    %dma_start3A_22 = tpu.memref_squeeze %dma_start3A_21 : memref<1x4096xi32, #tpu.memory_space<vmem>> -> memref<4096xi32, #tpu.memory_space<vmem>>
    %dma_start3A_23 = tpu.memref_slice %arg3[%add3A_18] : memref<2097152xi32, #tpu.memory_space<hbm>> -> memref<4096xi32, #tpu.memory_space<hbm>>
    %dma_start3A_24 = arith.constant 0 : i32
    %dma_start3A_25 = tpu.memref_slice %arg5[%dma_start3A_19, %dma_start3A_24] : memref<2x4096xi32, #tpu.memory_space<vmem>> -> memref<1x4096xi32, #tpu.memory_space<vmem>>
    %dma_start3A_26 = tpu.memref_squeeze %dma_start3A_25 : memref<1x4096xi32, #tpu.memory_space<vmem>> -> memref<4096xi32, #tpu.memory_space<vmem>>
    %dma_start3A_27 = tpu.memref_slice %arg3[%add3A_18] : memref<2097152xi32, #tpu.memory_space<hbm>> -> memref<4096xi32, #tpu.memory_space<hbm>>
    tpu.enqueue_dma source(%dma_start3A_27 : memref<4096xi32, #tpu.memory_space<hbm>>) target(%dma_start3A_26 : memref<4096xi32, #tpu.memory_space<vmem>>) target_semaphore(%arg8 : memref<!tpu.dma_semaphore, #tpu.memory_space<semaphore_mem>>)
    %add3A_28 = arith.constant 0 : i32
    %add3A_29 = arith.addi %mul3A_2, %add3A_28 : i32
    %dma_wait3A = arith.constant 0 : i32
    %dma_wait3A_30 = arith.constant 0 : i32
    %dma_wait3A_31 = tpu.memref_slice %arg5[%dma_wait3A, %dma_wait3A_30] : memref<2x4096xi32, #tpu.memory_space<vmem>> -> memref<1x4096xi32, #tpu.memory_space<vmem>>
    %dma_wait3A_32 = tpu.memref_squeeze %dma_wait3A_31 : memref<1x4096xi32, #tpu.memory_space<vmem>> -> memref<4096xi32, #tpu.memory_space<vmem>>
    %dma_wait3A_33 = tpu.memref_slice %arg3[%add3A_29] : memref<2097152xi32, #tpu.memory_space<hbm>> -> memref<4096xi32, #tpu.memory_space<hbm>>
    %dma_wait3A_34 = arith.constant 0 : i32
    %dma_wait3A_35 = tpu.memref_slice %arg5[%dma_wait3A, %dma_wait3A_34] : memref<2x4096xi32, #tpu.memory_space<vmem>> -> memref<1x4096xi32, #tpu.memory_space<vmem>>
    %dma_wait3A_36 = tpu.memref_squeeze %dma_wait3A_35 : memref<1x4096xi32, #tpu.memory_space<vmem>> -> memref<4096xi32, #tpu.memory_space<vmem>>
    %dma_wait3A_37 = tpu.memref_slice %arg3[%add3A_29] : memref<2097152xi32, #tpu.memory_space<hbm>> -> memref<4096xi32, #tpu.memory_space<hbm>>
    tpu.wait_dma2 semaphore(%arg8 : memref<!tpu.dma_semaphore, #tpu.memory_space<semaphore_mem>>) src(%dma_wait3A_37 : memref<4096xi32, #tpu.memory_space<hbm>>) dst(%dma_wait3A_36 : memref<4096xi32, #tpu.memory_space<vmem>>)
    %dma_start3A_38 = arith.constant 0 : i32
    %dma_start3A_39 = arith.constant 0 : i32
    %dma_start3A_40 = arith.constant 0 : i32
    %dma_start3A_41 = arith.constant 0 : i32
    %dma_start3A_42 = arith.constant 0 : i32
    %dma_start3A_43 = tpu.memref_slice %arg6[%dma_start3A_39, %dma_start3A_41, %dma_start3A_42] : memref<2x4096x8xf32, #tpu.memory_space<vmem>> -> memref<1x4096x8xf32, #tpu.memory_space<vmem>>
    %dma_start3A_44 = tpu.memref_squeeze %dma_start3A_43 : memref<1x4096x8xf32, #tpu.memory_space<vmem>> -> memref<4096x8xf32, #tpu.memory_space<vmem>>
    %dma_start3A_45 = arith.constant 0 : i32
    %dma_start3A_46 = tpu.memref_slice %arg5[%dma_start3A_38, %dma_start3A_45] : memref<2x4096xi32, #tpu.memory_space<vmem>> -> memref<1x4096xi32, #tpu.memory_space<vmem>>
    %dma_start3A_47 = tpu.memref_squeeze %dma_start3A_46 : memref<1x4096xi32, #tpu.memory_space<vmem>> -> memref<4096xi32, #tpu.memory_space<vmem>>
    %dma_start3A_48 = arith.constant 0 : i32
    %dma_start3A_49 = arith.constant 0 : i32
    %dma_start3A_50 = tpu.memref_slice %arg7[%dma_start3A_48, %dma_start3A_49] : memref<65536x8xf32, #tpu.memory_space<vmem_shared>> -> memref<65536x8xf32, #tpu.memory_space<vmem_shared>>
    %dma_start3A_51 = tpu.memref_slice %arg9[%dma_start3A_40] : memref<2x!tpu.dma_semaphore, #tpu.memory_space<semaphore_mem>> -> memref<1x!tpu.dma_semaphore, #tpu.memory_space<semaphore_mem>>
    %dma_start3A_52 = tpu.memref_squeeze %dma_start3A_51 : memref<1x!tpu.dma_semaphore, #tpu.memory_space<semaphore_mem>> -> memref<!tpu.dma_semaphore, #tpu.memory_space<semaphore_mem>>
    tpu.enqueue_indirect_dma source(%dma_start3A_50 : memref<65536x8xf32, #tpu.memory_space<vmem_shared>>) target(%dma_start3A_44 : memref<4096x8xf32, #tpu.memory_space<vmem>>) offsets(%dma_start3A_47 : memref<4096xi32, #tpu.memory_space<vmem>>) semaphore(%dma_start3A_52 : memref<!tpu.dma_semaphore, #tpu.memory_space<semaphore_mem>>)
    %scan3A = arith.constant 0 : i32
    %scan3A_53 = arith.constant 0 : i32
    %scan3A_54 = arith.constant 8 : i32
    %scan3A_55 = arith.addi %scan3A_53, %scan3A_54 : i32
    %scan3A_56 = arith.constant 1 : i32
    scf.for %scan3A_94 = %scan3A_53 to %scan3A_55 step %scan3A_56  : i32 {
      %mul3A_95 = arith.constant 2 : i32
      %mul3A_96 = arith.muli %mul3A_95, %scan3A_94 : i32
      %add3A_97 = arith.constant 0 : i32
      %add3A_98 = arith.addi %mul3A_96, %add3A_97 : i32
      %add3A_99 = arith.constant 1 : i32
      %add3A_100 = arith.addi %add3A_98, %add3A_99 : i32
      %lt3A = arith.constant 16 : i32
      %lt3A_101 = arith.cmpi slt, %add3A_100, %lt3A : i32
      %convert_element_type3A = arith.extui %lt3A_101 : i1 to i32
      %cond3A = arith.constant 0 : i32
      %cond3A_102 = arith.cmpi ne, %convert_element_type3A, %cond3A : i32
      scf.if %cond3A_102 {
        %add3A_196 = arith.constant 0 : i32
        %add3A_197 = arith.addi %mul3A_2, %add3A_196 : i32
        %dma_wait3A_198 = arith.constant 1 : i32
        %dma_wait3A_199 = arith.constant 0 : i32
        %dma_wait3A_200 = tpu.memref_slice %arg5[%dma_wait3A_198, %dma_wait3A_199] : memref<2x4096xi32, #tpu.memory_space<vmem>> -> memref<1x4096xi32, #tpu.memory_space<vmem>>
        %dma_wait3A_201 = tpu.memref_squeeze %dma_wait3A_200 : memref<1x4096xi32, #tpu.memory_space<vmem>> -> memref<4096xi32, #tpu.memory_space<vmem>>
        %dma_wait3A_202 = tpu.memref_slice %arg3[%add3A_197] : memref<2097152xi32, #tpu.memory_space<hbm>> -> memref<4096xi32, #tpu.memory_space<hbm>>
        %dma_wait3A_203 = arith.constant 0 : i32
        %dma_wait3A_204 = tpu.memref_slice %arg5[%dma_wait3A_198, %dma_wait3A_203] : memref<2x4096xi32, #tpu.memory_space<vmem>> -> memref<1x4096xi32, #tpu.memory_space<vmem>>
        %dma_wait3A_205 = tpu.memref_squeeze %dma_wait3A_204 : memref<1x4096xi32, #tpu.memory_space<vmem>> -> memref<4096xi32, #tpu.memory_space<vmem>>
        %dma_wait3A_206 = tpu.memref_slice %arg3[%add3A_197] : memref<2097152xi32, #tpu.memory_space<hbm>> -> memref<4096xi32, #tpu.memory_space<hbm>>
        tpu.wait_dma2 semaphore(%arg8 : memref<!tpu.dma_semaphore, #tpu.memory_space<semaphore_mem>>) src(%dma_wait3A_206 : memref<4096xi32, #tpu.memory_space<hbm>>) dst(%dma_wait3A_205 : memref<4096xi32, #tpu.memory_space<vmem>>)
        %add3A_207 = arith.constant 1 : i32
        %add3A_208 = arith.addi %add3A_98, %add3A_207 : i32
        %ge3A = arith.constant 2 : i32
        %ge3A_209 = arith.cmpi sge, %add3A_208, %ge3A : i32
        %convert_element_type3A_210 = arith.extui %ge3A_209 : i1 to i32
        %cond3A_211 = arith.constant 0 : i32
        %cond3A_212 = arith.cmpi ne, %convert_element_type3A_210, %cond3A_211 : i32
        scf.if %cond3A_212 {
          %add3A_228 = arith.constant 0 : i32
          %add3A_229 = arith.addi %mul3A_2, %add3A_228 : i32
          %dma_wait3A_230 = arith.constant 1 : i32
          %dma_wait3A_231 = arith.constant 1 : i32
          %dma_wait3A_232 = arith.constant 0 : i32
          %dma_wait3A_233 = arith.constant 0 : i32
          %dma_wait3A_234 = tpu.memref_slice %arg6[%dma_wait3A_230, %dma_wait3A_232, %dma_wait3A_233] : memref<2x4096x8xf32, #tpu.memory_space<vmem>> -> memref<1x4096x8xf32, #tpu.memory_space<vmem>>
          %dma_wait3A_235 = tpu.memref_squeeze %dma_wait3A_234 : memref<1x4096x8xf32, #tpu.memory_space<vmem>> -> memref<4096x8xf32, #tpu.memory_space<vmem>>
          %dma_wait3A_236 = arith.constant 0 : i32
          %dma_wait3A_237 = tpu.memref_slice %arg4[%add3A_229, %dma_wait3A_236] : memref<2097152x8xf32, #tpu.memory_space<hbm>> -> memref<4096x8xf32, #tpu.memory_space<hbm>>
          %dma_wait3A_238 = tpu.memref_slice %arg10[%dma_wait3A_231] : memref<2x!tpu.dma_semaphore, #tpu.memory_space<semaphore_mem>> -> memref<1x!tpu.dma_semaphore, #tpu.memory_space<semaphore_mem>>
          %dma_wait3A_239 = tpu.memref_squeeze %dma_wait3A_238 : memref<1x!tpu.dma_semaphore, #tpu.memory_space<semaphore_mem>> -> memref<!tpu.dma_semaphore, #tpu.memory_space<semaphore_mem>>
          %dma_wait3A_240 = arith.constant 0 : i32
          %dma_wait3A_241 = tpu.memref_slice %arg4[%add3A_229, %dma_wait3A_240] : memref<2097152x8xf32, #tpu.memory_space<hbm>> -> memref<4096x8xf32, #tpu.memory_space<hbm>>
          %dma_wait3A_242 = arith.constant 0 : i32
          %dma_wait3A_243 = arith.constant 0 : i32
          %dma_wait3A_244 = tpu.memref_slice %arg6[%dma_wait3A_230, %dma_wait3A_242, %dma_wait3A_243] : memref<2x4096x8xf32, #tpu.memory_space<vmem>> -> memref<1x4096x8xf32, #tpu.memory_space<vmem>>
          %dma_wait3A_245 = tpu.memref_squeeze %dma_wait3A_244 : memref<1x4096x8xf32, #tpu.memory_space<vmem>> -> memref<4096x8xf32, #tpu.memory_space<vmem>>
          tpu.wait_dma2 semaphore(%dma_wait3A_239 : memref<!tpu.dma_semaphore, #tpu.memory_space<semaphore_mem>>) src(%dma_wait3A_245 : memref<4096x8xf32, #tpu.memory_space<vmem>>) dst(%dma_wait3A_241 : memref<4096x8xf32, #tpu.memory_space<hbm>>)
        } else {
        }
        %dma_start3A_213 = arith.constant 1 : i32
        %dma_start3A_214 = arith.constant 1 : i32
        %dma_start3A_215 = arith.constant 1 : i32
        %dma_start3A_216 = arith.constant 0 : i32
        %dma_start3A_217 = arith.constant 0 : i32
        %dma_start3A_218 = tpu.memref_slice %arg6[%dma_start3A_214, %dma_start3A_216, %dma_start3A_217] : memref<2x4096x8xf32, #tpu.memory_space<vmem>> -> memref<1x4096x8xf32, #tpu.memory_space<vmem>>
        %dma_start3A_219 = tpu.memref_squeeze %dma_start3A_218 : memref<1x4096x8xf32, #tpu.memory_space<vmem>> -> memref<4096x8xf32, #tpu.memory_space<vmem>>
        %dma_start3A_220 = arith.constant 0 : i32
        %dma_start3A_221 = tpu.memref_slice %arg5[%dma_start3A_213, %dma_start3A_220] : memref<2x4096xi32, #tpu.memory_space<vmem>> -> memref<1x4096xi32, #tpu.memory_space<vmem>>
        %dma_start3A_222 = tpu.memref_squeeze %dma_start3A_221 : memref<1x4096xi32, #tpu.memory_space<vmem>> -> memref<4096xi32, #tpu.memory_space<vmem>>
        %dma_start3A_223 = arith.constant 0 : i32
        %dma_start3A_224 = arith.constant 0 : i32
        %dma_start3A_225 = tpu.memref_slice %arg7[%dma_start3A_223, %dma_start3A_224] : memref<65536x8xf32, #tpu.memory_space<vmem_shared>> -> memref<65536x8xf32, #tpu.memory_space<vmem_shared>>
        %dma_start3A_226 = tpu.memref_slice %arg9[%dma_start3A_215] : memref<2x!tpu.dma_semaphore, #tpu.memory_space<semaphore_mem>> -> memref<1x!tpu.dma_semaphore, #tpu.memory_space<semaphore_mem>>
        %dma_start3A_227 = tpu.memref_squeeze %dma_start3A_226 : memref<1x!tpu.dma_semaphore, #tpu.memory_space<semaphore_mem>> -> memref<!tpu.dma_semaphore, #tpu.memory_space<semaphore_mem>>
        tpu.enqueue_indirect_dma source(%dma_start3A_225 : memref<65536x8xf32, #tpu.memory_space<vmem_shared>>) target(%dma_start3A_219 : memref<4096x8xf32, #tpu.memory_space<vmem>>) offsets(%dma_start3A_222 : memref<4096xi32, #tpu.memory_space<vmem>>) semaphore(%dma_start3A_227 : memref<!tpu.dma_semaphore, #tpu.memory_space<semaphore_mem>>)
      } else {
      }
      %dma_wait3A_103 = arith.constant 0 : i32
      %dma_wait3A_104 = arith.constant 0 : i32
      %dma_wait3A_105 = arith.constant 0 : i32
      %dma_wait3A_106 = arith.constant 0 : i32
      %dma_wait3A_107 = arith.constant 0 : i32
      %dma_wait3A_108 = tpu.memref_slice %arg6[%dma_wait3A_104, %dma_wait3A_106, %dma_wait3A_107] : memref<2x4096x8xf32, #tpu.memory_space<vmem>> -> memref<1x4096x8xf32, #tpu.memory_space<vmem>>
      %dma_wait3A_109 = tpu.memref_squeeze %dma_wait3A_108 : memref<1x4096x8xf32, #tpu.memory_space<vmem>> -> memref<4096x8xf32, #tpu.memory_space<vmem>>
      %dma_wait3A_110 = arith.constant 0 : i32
      %dma_wait3A_111 = tpu.memref_slice %arg5[%dma_wait3A_103, %dma_wait3A_110] : memref<2x4096xi32, #tpu.memory_space<vmem>> -> memref<1x4096xi32, #tpu.memory_space<vmem>>
      %dma_wait3A_112 = tpu.memref_squeeze %dma_wait3A_111 : memref<1x4096xi32, #tpu.memory_space<vmem>> -> memref<4096xi32, #tpu.memory_space<vmem>>
      %dma_wait3A_113 = arith.constant 0 : i32
      %dma_wait3A_114 = arith.constant 0 : i32
      %dma_wait3A_115 = tpu.memref_slice %arg7[%dma_wait3A_113, %dma_wait3A_114] : memref<65536x8xf32, #tpu.memory_space<vmem_shared>> -> memref<65536x8xf32, #tpu.memory_space<vmem_shared>>
      %dma_wait3A_116 = tpu.memref_slice %arg9[%dma_wait3A_105] : memref<2x!tpu.dma_semaphore, #tpu.memory_space<semaphore_mem>> -> memref<1x!tpu.dma_semaphore, #tpu.memory_space<semaphore_mem>>
      %dma_wait3A_117 = tpu.memref_squeeze %dma_wait3A_116 : memref<1x!tpu.dma_semaphore, #tpu.memory_space<semaphore_mem>> -> memref<!tpu.dma_semaphore, #tpu.memory_space<semaphore_mem>>
      tpu.wait_indirect_dma semaphore(%dma_wait3A_117 : memref<!tpu.dma_semaphore, #tpu.memory_space<semaphore_mem>>) src(%dma_wait3A_115 : memref<65536x8xf32, #tpu.memory_space<vmem_shared>>) dst(%dma_wait3A_109 : memref<4096x8xf32, #tpu.memory_space<vmem>>)
      %add3A_118 = arith.constant 2 : i32
      %add3A_119 = arith.addi %add3A_98, %add3A_118 : i32
      %lt3A_120 = arith.constant 16 : i32
      %lt3A_121 = arith.cmpi slt, %add3A_119, %lt3A_120 : i32
      %convert_element_type3A_122 = arith.extui %lt3A_121 : i1 to i32
      %cond3A_123 = arith.constant 0 : i32
      %cond3A_124 = arith.cmpi ne, %convert_element_type3A_122, %cond3A_123 : i32
      scf.if %cond3A_124 {
        %add3A_196 = arith.constant 2 : i32
        %add3A_197 = arith.addi %add3A_98, %add3A_196 : i32
        %mul3A_198 = arith.constant 4096 : i32
        %mul3A_199 = arith.muli %add3A_197, %mul3A_198 : i32
        %add3A_200 = arith.addi %mul3A_2, %mul3A_199 : i32
        %dma_start3A_201 = arith.constant 0 : i32
        %dma_start3A_202 = arith.constant 0 : i32
        %dma_start3A_203 = tpu.memref_slice %arg5[%dma_start3A_201, %dma_start3A_202] : memref<2x4096xi32, #tpu.memory_space<vmem>> -> memref<1x4096xi32, #tpu.memory_space<vmem>>
        %dma_start3A_204 = tpu.memref_squeeze %dma_start3A_203 : memref<1x4096xi32, #tpu.memory_space<vmem>> -> memref<4096xi32, #tpu.memory_space<vmem>>
        %dma_start3A_205 = tpu.memref_slice %arg3[%add3A_200] : memref<2097152xi32, #tpu.memory_space<hbm>> -> memref<4096xi32, #tpu.memory_space<hbm>>
        %dma_start3A_206 = arith.constant 0 : i32
        %dma_start3A_207 = tpu.memref_slice %arg5[%dma_start3A_201, %dma_start3A_206] : memref<2x4096xi32, #tpu.memory_space<vmem>> -> memref<1x4096xi32, #tpu.memory_space<vmem>>
        %dma_start3A_208 = tpu.memref_squeeze %dma_start3A_207 : memref<1x4096xi32, #tpu.memory_space<vmem>> -> memref<4096xi32, #tpu.memory_space<vmem>>
        %dma_start3A_209 = tpu.memref_slice %arg3[%add3A_200] : memref<2097152xi32, #tpu.memory_space<hbm>> -> memref<4096xi32, #tpu.memory_space<hbm>>
        tpu.enqueue_dma source(%dma_start3A_209 : memref<4096xi32, #tpu.memory_space<hbm>>) target(%dma_start3A_208 : memref<4096xi32, #tpu.memory_space<vmem>>) target_semaphore(%arg8 : memref<!tpu.dma_semaphore, #tpu.memory_space<semaphore_mem>>)
      } else {
      }
      %mul3A_125 = arith.constant 4096 : i32
      %mul3A_126 = arith.muli %add3A_98, %mul3A_125 : i32
      %add3A_127 = arith.addi %mul3A_2, %mul3A_126 : i32
      %dma_start3A_128 = arith.constant 0 : i32
      %dma_start3A_129 = arith.constant 0 : i32
      %dma_start3A_130 = arith.constant 0 : i32
      %dma_start3A_131 = arith.constant 0 : i32
      %dma_start3A_132 = tpu.memref_slice %arg6[%dma_start3A_128, %dma_start3A_130, %dma_start3A_131] : memref<2x4096x8xf32, #tpu.memory_space<vmem>> -> memref<1x4096x8xf32, #tpu.memory_space<vmem>>
      %dma_start3A_133 = tpu.memref_squeeze %dma_start3A_132 : memref<1x4096x8xf32, #tpu.memory_space<vmem>> -> memref<4096x8xf32, #tpu.memory_space<vmem>>
      %dma_start3A_134 = arith.constant 0 : i32
      %dma_start3A_135 = tpu.memref_slice %arg4[%add3A_127, %dma_start3A_134] : memref<2097152x8xf32, #tpu.memory_space<hbm>> -> memref<4096x8xf32, #tpu.memory_space<hbm>>
      %dma_start3A_136 = tpu.memref_slice %arg10[%dma_start3A_129] : memref<2x!tpu.dma_semaphore, #tpu.memory_space<semaphore_mem>> -> memref<1x!tpu.dma_semaphore, #tpu.memory_space<semaphore_mem>>
      %dma_start3A_137 = tpu.memref_squeeze %dma_start3A_136 : memref<1x!tpu.dma_semaphore, #tpu.memory_space<semaphore_mem>> -> memref<!tpu.dma_semaphore, #tpu.memory_space<semaphore_mem>>
      %dma_start3A_138 = arith.constant 0 : i32
      %dma_start3A_139 = tpu.memref_slice %arg4[%add3A_127, %dma_start3A_138] : memref<2097152x8xf32, #tpu.memory_space<hbm>> -> memref<4096x8xf32, #tpu.memory_space<hbm>>
      %dma_start3A_140 = arith.constant 0 : i32
      %dma_start3A_141 = arith.constant 0 : i32
      %dma_start3A_142 = tpu.memref_slice %arg6[%dma_start3A_128, %dma_start3A_140, %dma_start3A_141] : memref<2x4096x8xf32, #tpu.memory_space<vmem>> -> memref<1x4096x8xf32, #tpu.memory_space<vmem>>
      %dma_start3A_143 = tpu.memref_squeeze %dma_start3A_142 : memref<1x4096x8xf32, #tpu.memory_space<vmem>> -> memref<4096x8xf32, #tpu.memory_space<vmem>>
      tpu.enqueue_dma source(%dma_start3A_143 : memref<4096x8xf32, #tpu.memory_space<vmem>>) target(%dma_start3A_139 : memref<4096x8xf32, #tpu.memory_space<hbm>>) target_semaphore(%dma_start3A_137 : memref<!tpu.dma_semaphore, #tpu.memory_space<semaphore_mem>>)
      %mul3A_144 = arith.constant 2 : i32
      %mul3A_145 = arith.muli %mul3A_144, %scan3A_94 : i32
      %add3A_146 = arith.constant 1 : i32
      %add3A_147 = arith.addi %mul3A_145, %add3A_146 : i32
      %add3A_148 = arith.constant 1 : i32
      %add3A_149 = arith.addi %add3A_147, %add3A_148 : i32
      %lt3A_150 = arith.constant 16 : i32
      %lt3A_151 = arith.cmpi slt, %add3A_149, %lt3A_150 : i32
      %convert_element_type3A_152 = arith.extui %lt3A_151 : i1 to i32
      %cond3A_153 = arith.constant 0 : i32
      %cond3A_154 = arith.cmpi ne, %convert_element_type3A_152, %cond3A_153 : i32
      scf.if %cond3A_154 {
        %add3A_196 = arith.constant 0 : i32
        %add3A_197 = arith.addi %mul3A_2, %add3A_196 : i32
        %dma_wait3A_198 = arith.constant 0 : i32
        %dma_wait3A_199 = arith.constant 0 : i32
        %dma_wait3A_200 = tpu.memref_slice %arg5[%dma_wait3A_198, %dma_wait3A_199] : memref<2x4096xi32, #tpu.memory_space<vmem>> -> memref<1x4096xi32, #tpu.memory_space<vmem>>
        %dma_wait3A_201 = tpu.memref_squeeze %dma_wait3A_200 : memref<1x4096xi32, #tpu.memory_space<vmem>> -> memref<4096xi32, #tpu.memory_space<vmem>>
        %dma_wait3A_202 = tpu.memref_slice %arg3[%add3A_197] : memref<2097152xi32, #tpu.memory_space<hbm>> -> memref<4096xi32, #tpu.memory_space<hbm>>
        %dma_wait3A_203 = arith.constant 0 : i32
        %dma_wait3A_204 = tpu.memref_slice %arg5[%dma_wait3A_198, %dma_wait3A_203] : memref<2x4096xi32, #tpu.memory_space<vmem>> -> memref<1x4096xi32, #tpu.memory_space<vmem>>
        %dma_wait3A_205 = tpu.memref_squeeze %dma_wait3A_204 : memref<1x4096xi32, #tpu.memory_space<vmem>> -> memref<4096xi32, #tpu.memory_space<vmem>>
        %dma_wait3A_206 = tpu.memref_slice %arg3[%add3A_197] : memref<2097152xi32, #tpu.memory_space<hbm>> -> memref<4096xi32, #tpu.memory_space<hbm>>
        tpu.wait_dma2 semaphore(%arg8 : memref<!tpu.dma_semaphore, #tpu.memory_space<semaphore_mem>>) src(%dma_wait3A_206 : memref<4096xi32, #tpu.memory_space<hbm>>) dst(%dma_wait3A_205 : memref<4096xi32, #tpu.memory_space<vmem>>)
        %add3A_207 = arith.constant 1 : i32
        %add3A_208 = arith.addi %add3A_147, %add3A_207 : i32
        %ge3A = arith.constant 2 : i32
        %ge3A_209 = arith.cmpi sge, %add3A_208, %ge3A : i32
        %convert_element_type3A_210 = arith.extui %ge3A_209 : i1 to i32
        %cond3A_211 = arith.constant 0 : i32
        %cond3A_212 = arith.cmpi ne, %convert_element_type3A_210, %cond3A_211 : i32
        scf.if %cond3A_212 {
          %add3A_228 = arith.constant 0 : i32
          %add3A_229 = arith.addi %mul3A_2, %add3A_228 : i32
          %dma_wait3A_230 = arith.constant 0 : i32
          %dma_wait3A_231 = arith.constant 0 : i32
          %dma_wait3A_232 = arith.constant 0 : i32
          %dma_wait3A_233 = arith.constant 0 : i32
          %dma_wait3A_234 = tpu.memref_slice %arg6[%dma_wait3A_230, %dma_wait3A_232, %dma_wait3A_233] : memref<2x4096x8xf32, #tpu.memory_space<vmem>> -> memref<1x4096x8xf32, #tpu.memory_space<vmem>>
          %dma_wait3A_235 = tpu.memref_squeeze %dma_wait3A_234 : memref<1x4096x8xf32, #tpu.memory_space<vmem>> -> memref<4096x8xf32, #tpu.memory_space<vmem>>
          %dma_wait3A_236 = arith.constant 0 : i32
          %dma_wait3A_237 = tpu.memref_slice %arg4[%add3A_229, %dma_wait3A_236] : memref<2097152x8xf32, #tpu.memory_space<hbm>> -> memref<4096x8xf32, #tpu.memory_space<hbm>>
          %dma_wait3A_238 = tpu.memref_slice %arg10[%dma_wait3A_231] : memref<2x!tpu.dma_semaphore, #tpu.memory_space<semaphore_mem>> -> memref<1x!tpu.dma_semaphore, #tpu.memory_space<semaphore_mem>>
          %dma_wait3A_239 = tpu.memref_squeeze %dma_wait3A_238 : memref<1x!tpu.dma_semaphore, #tpu.memory_space<semaphore_mem>> -> memref<!tpu.dma_semaphore, #tpu.memory_space<semaphore_mem>>
          %dma_wait3A_240 = arith.constant 0 : i32
          %dma_wait3A_241 = tpu.memref_slice %arg4[%add3A_229, %dma_wait3A_240] : memref<2097152x8xf32, #tpu.memory_space<hbm>> -> memref<4096x8xf32, #tpu.memory_space<hbm>>
          %dma_wait3A_242 = arith.constant 0 : i32
          %dma_wait3A_243 = arith.constant 0 : i32
          %dma_wait3A_244 = tpu.memref_slice %arg6[%dma_wait3A_230, %dma_wait3A_242, %dma_wait3A_243] : memref<2x4096x8xf32, #tpu.memory_space<vmem>> -> memref<1x4096x8xf32, #tpu.memory_space<vmem>>
          %dma_wait3A_245 = tpu.memref_squeeze %dma_wait3A_244 : memref<1x4096x8xf32, #tpu.memory_space<vmem>> -> memref<4096x8xf32, #tpu.memory_space<vmem>>
          tpu.wait_dma2 semaphore(%dma_wait3A_239 : memref<!tpu.dma_semaphore, #tpu.memory_space<semaphore_mem>>) src(%dma_wait3A_245 : memref<4096x8xf32, #tpu.memory_space<vmem>>) dst(%dma_wait3A_241 : memref<4096x8xf32, #tpu.memory_space<hbm>>)
        } else {
        }
        %dma_start3A_213 = arith.constant 0 : i32
        %dma_start3A_214 = arith.constant 0 : i32
        %dma_start3A_215 = arith.constant 0 : i32
        %dma_start3A_216 = arith.constant 0 : i32
        %dma_start3A_217 = arith.constant 0 : i32
        %dma_start3A_218 = tpu.memref_slice %arg6[%dma_start3A_214, %dma_start3A_216, %dma_start3A_217] : memref<2x4096x8xf32, #tpu.memory_space<vmem>> -> memref<1x4096x8xf32, #tpu.memory_space<vmem>>
        %dma_start3A_219 = tpu.memref_squeeze %dma_start3A_218 : memref<1x4096x8xf32, #tpu.memory_space<vmem>> -> memref<4096x8xf32, #tpu.memory_space<vmem>>
        %dma_start3A_220 = arith.constant 0 : i32
        %dma_start3A_221 = tpu.memref_slice %arg5[%dma_start3A_213, %dma_start3A_220] : memref<2x4096xi32, #tpu.memory_space<vmem>> -> memref<1x4096xi32, #tpu.memory_space<vmem>>
        %dma_start3A_222 = tpu.memref_squeeze %dma_start3A_221 : memref<1x4096xi32, #tpu.memory_space<vmem>> -> memref<4096xi32, #tpu.memory_space<vmem>>
        %dma_start3A_223 = arith.constant 0 : i32
        %dma_start3A_224 = arith.constant 0 : i32
        %dma_start3A_225 = tpu.memref_slice %arg7[%dma_start3A_223, %dma_start3A_224] : memref<65536x8xf32, #tpu.memory_space<vmem_shared>> -> memref<65536x8xf32, #tpu.memory_space<vmem_shared>>
        %dma_start3A_226 = tpu.memref_slice %arg9[%dma_start3A_215] : memref<2x!tpu.dma_semaphore, #tpu.memory_space<semaphore_mem>> -> memref<1x!tpu.dma_semaphore, #tpu.memory_space<semaphore_mem>>
        %dma_start3A_227 = tpu.memref_squeeze %dma_start3A_226 : memref<1x!tpu.dma_semaphore, #tpu.memory_space<semaphore_mem>> -> memref<!tpu.dma_semaphore, #tpu.memory_space<semaphore_mem>>
        tpu.enqueue_indirect_dma source(%dma_start3A_225 : memref<65536x8xf32, #tpu.memory_space<vmem_shared>>) target(%dma_start3A_219 : memref<4096x8xf32, #tpu.memory_space<vmem>>) offsets(%dma_start3A_222 : memref<4096xi32, #tpu.memory_space<vmem>>) semaphore(%dma_start3A_227 : memref<!tpu.dma_semaphore, #tpu.memory_space<semaphore_mem>>)
      } else {
      }
      %dma_wait3A_155 = arith.constant 1 : i32
      %dma_wait3A_156 = arith.constant 1 : i32
      %dma_wait3A_157 = arith.constant 1 : i32
      %dma_wait3A_158 = arith.constant 0 : i32
      %dma_wait3A_159 = arith.constant 0 : i32
      %dma_wait3A_160 = tpu.memref_slice %arg6[%dma_wait3A_156, %dma_wait3A_158, %dma_wait3A_159] : memref<2x4096x8xf32, #tpu.memory_space<vmem>> -> memref<1x4096x8xf32, #tpu.memory_space<vmem>>
      %dma_wait3A_161 = tpu.memref_squeeze %dma_wait3A_160 : memref<1x4096x8xf32, #tpu.memory_space<vmem>> -> memref<4096x8xf32, #tpu.memory_space<vmem>>
      %dma_wait3A_162 = arith.constant 0 : i32
      %dma_wait3A_163 = tpu.memref_slice %arg5[%dma_wait3A_155, %dma_wait3A_162] : memref<2x4096xi32, #tpu.memory_space<vmem>> -> memref<1x4096xi32, #tpu.memory_space<vmem>>
      %dma_wait3A_164 = tpu.memref_squeeze %dma_wait3A_163 : memref<1x4096xi32, #tpu.memory_space<vmem>> -> memref<4096xi32, #tpu.memory_space<vmem>>
      %dma_wait3A_165 = arith.constant 0 : i32
      %dma_wait3A_166 = arith.constant 0 : i32
      %dma_wait3A_167 = tpu.memref_slice %arg7[%dma_wait3A_165, %dma_wait3A_166] : memref<65536x8xf32, #tpu.memory_space<vmem_shared>> -> memref<65536x8xf32, #tpu.memory_space<vmem_shared>>
      %dma_wait3A_168 = tpu.memref_slice %arg9[%dma_wait3A_157] : memref<2x!tpu.dma_semaphore, #tpu.memory_space<semaphore_mem>> -> memref<1x!tpu.dma_semaphore, #tpu.memory_space<semaphore_mem>>
      %dma_wait3A_169 = tpu.memref_squeeze %dma_wait3A_168 : memref<1x!tpu.dma_semaphore, #tpu.memory_space<semaphore_mem>> -> memref<!tpu.dma_semaphore, #tpu.memory_space<semaphore_mem>>
      tpu.wait_indirect_dma semaphore(%dma_wait3A_169 : memref<!tpu.dma_semaphore, #tpu.memory_space<semaphore_mem>>) src(%dma_wait3A_167 : memref<65536x8xf32, #tpu.memory_space<vmem_shared>>) dst(%dma_wait3A_161 : memref<4096x8xf32, #tpu.memory_space<vmem>>)
      %add3A_170 = arith.constant 2 : i32
      %add3A_171 = arith.addi %add3A_147, %add3A_170 : i32
      %lt3A_172 = arith.constant 16 : i32
      %lt3A_173 = arith.cmpi slt, %add3A_171, %lt3A_172 : i32
      %convert_element_type3A_174 = arith.extui %lt3A_173 : i1 to i32
      %cond3A_175 = arith.constant 0 : i32
      %cond3A_176 = arith.cmpi ne, %convert_element_type3A_174, %cond3A_175 : i32
      scf.if %cond3A_176 {
        %add3A_196 = arith.constant 2 : i32
        %add3A_197 = arith.addi %add3A_147, %add3A_196 : i32
        %mul3A_198 = arith.constant 4096 : i32
        %mul3A_199 = arith.muli %add3A_197, %mul3A_198 : i32
        %add3A_200 = arith.addi %mul3A_2, %mul3A_199 : i32
        %dma_start3A_201 = arith.constant 1 : i32
        %dma_start3A_202 = arith.constant 0 : i32
        %dma_start3A_203 = tpu.memref_slice %arg5[%dma_start3A_201, %dma_start3A_202] : memref<2x4096xi32, #tpu.memory_space<vmem>> -> memref<1x4096xi32, #tpu.memory_space<vmem>>
        %dma_start3A_204 = tpu.memref_squeeze %dma_start3A_203 : memref<1x4096xi32, #tpu.memory_space<vmem>> -> memref<4096xi32, #tpu.memory_space<vmem>>
        %dma_start3A_205 = tpu.memref_slice %arg3[%add3A_200] : memref<2097152xi32, #tpu.memory_space<hbm>> -> memref<4096xi32, #tpu.memory_space<hbm>>
        %dma_start3A_206 = arith.constant 0 : i32
        %dma_start3A_207 = tpu.memref_slice %arg5[%dma_start3A_201, %dma_start3A_206] : memref<2x4096xi32, #tpu.memory_space<vmem>> -> memref<1x4096xi32, #tpu.memory_space<vmem>>
        %dma_start3A_208 = tpu.memref_squeeze %dma_start3A_207 : memref<1x4096xi32, #tpu.memory_space<vmem>> -> memref<4096xi32, #tpu.memory_space<vmem>>
        %dma_start3A_209 = tpu.memref_slice %arg3[%add3A_200] : memref<2097152xi32, #tpu.memory_space<hbm>> -> memref<4096xi32, #tpu.memory_space<hbm>>
        tpu.enqueue_dma source(%dma_start3A_209 : memref<4096xi32, #tpu.memory_space<hbm>>) target(%dma_start3A_208 : memref<4096xi32, #tpu.memory_space<vmem>>) target_semaphore(%arg8 : memref<!tpu.dma_semaphore, #tpu.memory_space<semaphore_mem>>)
      } else {
      }
      %mul3A_177 = arith.constant 4096 : i32
      %mul3A_178 = arith.muli %add3A_147, %mul3A_177 : i32
      %add3A_179 = arith.addi %mul3A_2, %mul3A_178 : i32
      %dma_start3A_180 = arith.constant 1 : i32
      %dma_start3A_181 = arith.constant 1 : i32
      %dma_start3A_182 = arith.constant 0 : i32
      %dma_start3A_183 = arith.constant 0 : i32
      %dma_start3A_184 = tpu.memref_slice %arg6[%dma_start3A_180, %dma_start3A_182, %dma_start3A_183] : memref<2x4096x8xf32, #tpu.memory_space<vmem>> -> memref<1x4096x8xf32, #tpu.memory_space<vmem>>
      %dma_start3A_185 = tpu.memref_squeeze %dma_start3A_184 : memref<1x4096x8xf32, #tpu.memory_space<vmem>> -> memref<4096x8xf32, #tpu.memory_space<vmem>>
      %dma_start3A_186 = arith.constant 0 : i32
      %dma_start3A_187 = tpu.memref_slice %arg4[%add3A_179, %dma_start3A_186] : memref<2097152x8xf32, #tpu.memory_space<hbm>> -> memref<4096x8xf32, #tpu.memory_space<hbm>>
      %dma_start3A_188 = tpu.memref_slice %arg10[%dma_start3A_181] : memref<2x!tpu.dma_semaphore, #tpu.memory_space<semaphore_mem>> -> memref<1x!tpu.dma_semaphore, #tpu.memory_space<semaphore_mem>>
      %dma_start3A_189 = tpu.memref_squeeze %dma_start3A_188 : memref<1x!tpu.dma_semaphore, #tpu.memory_space<semaphore_mem>> -> memref<!tpu.dma_semaphore, #tpu.memory_space<semaphore_mem>>
      %dma_start3A_190 = arith.constant 0 : i32
      %dma_start3A_191 = tpu.memref_slice %arg4[%add3A_179, %dma_start3A_190] : memref<2097152x8xf32, #tpu.memory_space<hbm>> -> memref<4096x8xf32, #tpu.memory_space<hbm>>
      %dma_start3A_192 = arith.constant 0 : i32
      %dma_start3A_193 = arith.constant 0 : i32
      %dma_start3A_194 = tpu.memref_slice %arg6[%dma_start3A_180, %dma_start3A_192, %dma_start3A_193] : memref<2x4096x8xf32, #tpu.memory_space<vmem>> -> memref<1x4096x8xf32, #tpu.memory_space<vmem>>
      %dma_start3A_195 = tpu.memref_squeeze %dma_start3A_194 : memref<1x4096x8xf32, #tpu.memory_space<vmem>> -> memref<4096x8xf32, #tpu.memory_space<vmem>>
      tpu.enqueue_dma source(%dma_start3A_195 : memref<4096x8xf32, #tpu.memory_space<vmem>>) target(%dma_start3A_191 : memref<4096x8xf32, #tpu.memory_space<hbm>>) target_semaphore(%dma_start3A_189 : memref<!tpu.dma_semaphore, #tpu.memory_space<semaphore_mem>>)
    }
    %scan3A_57 = arith.constant 8 : i32
    %add3A_58 = arith.constant 0 : i32
    %add3A_59 = arith.addi %mul3A_2, %add3A_58 : i32
    %dma_wait3A_60 = arith.constant 0 : i32
    %dma_wait3A_61 = arith.constant 0 : i32
    %dma_wait3A_62 = arith.constant 0 : i32
    %dma_wait3A_63 = arith.constant 0 : i32
    %dma_wait3A_64 = tpu.memref_slice %arg6[%dma_wait3A_60, %dma_wait3A_62, %dma_wait3A_63] : memref<2x4096x8xf32, #tpu.memory_space<vmem>> -> memref<1x4096x8xf32, #tpu.memory_space<vmem>>
    %dma_wait3A_65 = tpu.memref_squeeze %dma_wait3A_64 : memref<1x4096x8xf32, #tpu.memory_space<vmem>> -> memref<4096x8xf32, #tpu.memory_space<vmem>>
    %dma_wait3A_66 = arith.constant 0 : i32
    %dma_wait3A_67 = tpu.memref_slice %arg4[%add3A_59, %dma_wait3A_66] : memref<2097152x8xf32, #tpu.memory_space<hbm>> -> memref<4096x8xf32, #tpu.memory_space<hbm>>
    %dma_wait3A_68 = tpu.memref_slice %arg10[%dma_wait3A_61] : memref<2x!tpu.dma_semaphore, #tpu.memory_space<semaphore_mem>> -> memref<1x!tpu.dma_semaphore, #tpu.memory_space<semaphore_mem>>
    %dma_wait3A_69 = tpu.memref_squeeze %dma_wait3A_68 : memref<1x!tpu.dma_semaphore, #tpu.memory_space<semaphore_mem>> -> memref<!tpu.dma_semaphore, #tpu.memory_space<semaphore_mem>>
    %dma_wait3A_70 = arith.constant 0 : i32
    %dma_wait3A_71 = tpu.memref_slice %arg4[%add3A_59, %dma_wait3A_70] : memref<2097152x8xf32, #tpu.memory_space<hbm>> -> memref<4096x8xf32, #tpu.memory_space<hbm>>
    %dma_wait3A_72 = arith.constant 0 : i32
    %dma_wait3A_73 = arith.constant 0 : i32
    %dma_wait3A_74 = tpu.memref_slice %arg6[%dma_wait3A_60, %dma_wait3A_72, %dma_wait3A_73] : memref<2x4096x8xf32, #tpu.memory_space<vmem>> -> memref<1x4096x8xf32, #tpu.memory_space<vmem>>
    %dma_wait3A_75 = tpu.memref_squeeze %dma_wait3A_74 : memref<1x4096x8xf32, #tpu.memory_space<vmem>> -> memref<4096x8xf32, #tpu.memory_space<vmem>>
    tpu.wait_dma2 semaphore(%dma_wait3A_69 : memref<!tpu.dma_semaphore, #tpu.memory_space<semaphore_mem>>) src(%dma_wait3A_75 : memref<4096x8xf32, #tpu.memory_space<vmem>>) dst(%dma_wait3A_71 : memref<4096x8xf32, #tpu.memory_space<hbm>>)
    %add3A_76 = arith.constant 0 : i32
    %add3A_77 = arith.addi %mul3A_2, %add3A_76 : i32
    %dma_wait3A_78 = arith.constant 1 : i32
    %dma_wait3A_79 = arith.constant 1 : i32
    %dma_wait3A_80 = arith.constant 0 : i32
    %dma_wait3A_81 = arith.constant 0 : i32
    %dma_wait3A_82 = tpu.memref_slice %arg6[%dma_wait3A_78, %dma_wait3A_80, %dma_wait3A_81] : memref<2x4096x8xf32, #tpu.memory_space<vmem>> -> memref<1x4096x8xf32, #tpu.memory_space<vmem>>
    %dma_wait3A_83 = tpu.memref_squeeze %dma_wait3A_82 : memref<1x4096x8xf32, #tpu.memory_space<vmem>> -> memref<4096x8xf32, #tpu.memory_space<vmem>>
    %dma_wait3A_84 = arith.constant 0 : i32
    %dma_wait3A_85 = tpu.memref_slice %arg4[%add3A_77, %dma_wait3A_84] : memref<2097152x8xf32, #tpu.memory_space<hbm>> -> memref<4096x8xf32, #tpu.memory_space<hbm>>
    %dma_wait3A_86 = tpu.memref_slice %arg10[%dma_wait3A_79] : memref<2x!tpu.dma_semaphore, #tpu.memory_space<semaphore_mem>> -> memref<1x!tpu.dma_semaphore, #tpu.memory_space<semaphore_mem>>
    %dma_wait3A_87 = tpu.memref_squeeze %dma_wait3A_86 : memref<1x!tpu.dma_semaphore, #tpu.memory_space<semaphore_mem>> -> memref<!tpu.dma_semaphore, #tpu.memory_space<semaphore_mem>>
    %dma_wait3A_88 = arith.constant 0 : i32
    %dma_wait3A_89 = tpu.memref_slice %arg4[%add3A_77, %dma_wait3A_88] : memref<2097152x8xf32, #tpu.memory_space<hbm>> -> memref<4096x8xf32, #tpu.memory_space<hbm>>
    %dma_wait3A_90 = arith.constant 0 : i32
    %dma_wait3A_91 = arith.constant 0 : i32
    %dma_wait3A_92 = tpu.memref_slice %arg6[%dma_wait3A_78, %dma_wait3A_90, %dma_wait3A_91] : memref<2x4096x8xf32, #tpu.memory_space<vmem>> -> memref<1x4096x8xf32, #tpu.memory_space<vmem>>
    %dma_wait3A_93 = tpu.memref_squeeze %dma_wait3A_92 : memref<1x4096x8xf32, #tpu.memory_space<vmem>> -> memref<4096x8xf32, #tpu.memory_space<vmem>>
    tpu.wait_dma2 semaphore(%dma_wait3A_87 : memref<!tpu.dma_semaphore, #tpu.memory_space<semaphore_mem>>) src(%dma_wait3A_93 : memref<4096x8xf32, #tpu.memory_space<vmem>>) dst(%dma_wait3A_89 : memref<4096x8xf32, #tpu.memory_space<hbm>>)
    return
  }
}

module attributes {stable_mosaic.version = 14 : i64} {
  func.func @_scale_body(%arg0: memref<1xf32, #tpu.memory_space<smem>>, %arg1: memref<4096x128xf32, #tpu.memory_space<vmem>>, %arg2: memref<4096x128xf32, #tpu.memory_space<vmem>>) attributes {dimension_semantics = [], scalar_prefetch = 0 : i64, scratch_operands = 0 : i64, tpu.core_type = #tpu.core_type<tc>} {
    %get3A = arith.constant 0 : index
    %get3A_0 = arith.constant 0 : index
    %get3A_1 = vector.load %arg1[%get3A, %get3A_0] : memref<4096x128xf32, #tpu.memory_space<vmem>>, vector<4096x128xf32>
    %get3A_2 = arith.constant 0 : index
    %get3A_3 = memref.load %arg0[%get3A_2] : memref<1xf32, #tpu.memory_space<smem>>
    %mul3A = vector.broadcast %get3A_3 : f32 to vector<4096x128xf32>
    %mul3A_4 = arith.mulf %get3A_1, %mul3A : vector<4096x128xf32>
    %swap3A = arith.constant 0 : index
    %swap3A_5 = arith.constant 0 : index
    %swap3A_6 = vector.load %arg2[%swap3A, %swap3A_5] : memref<4096x128xf32, #tpu.memory_space<vmem>>, vector<4096x128xf32>
    tpu.vector_store %arg2[%swap3A, %swap3A_5], %mul3A_4 {strides = array<i32>} : memref<4096x128xf32, #tpu.memory_space<vmem>>, vector<4096x128xf32>,
    return
  }
}

</mosaic_0001>

<sc_bundles>
// kernel: kernel.4.cloned.1.call-start
scs
__scs_entry_jumppad:
0x0: {  	(pc) =	sbr.rel $0x88, $3  }
0x1: {  	(tag) =	ssettag $0x0;
	lr =	simm.s32 $0x1  }
0x2: {  	[smem:$0x3F9E] =	sst lr;
	_ =	strace $0xD0000000  }
0x3: {  	_ = 	snop  }
0x4: {  	_ = 	snop  }
0x5: {  	_ = 	snop  }
0x6: {  	_ = 	snop  }
0x7: {  	_ = 	snop  }
__scs_overlays_trampoline_lowered:
0x8: {  	[smem:$0x3FAD] =	sst s0  }
0x9: {  	[smem:$0x3FAE] =	sst s1  }
0xa: {  	[smem:$0x3FAF] =	sst s2  }
0xb: {  	[smem:$0x3FB0] =	sst s3  }
0xc: {  	[smem:$0x3FB1] =	sst s4  }
0xd: {  	[smem:$0x3FB2] =	sst s5  }
0xe: {  	[smem:$0x3FB3] =	sst s6  }
0xf: {  	[smem:$0x3FB4] =	sst s7  }
0x10: {  	[smem:$0x3FB5] =	sst s8  }
0x11: {  	[smem:$0x3FB6] =	sst s9;
	s0 =	simm.s32 @!p0 $0x0  }
0x12: {  	s1 =	sld [smem:$0x3F9C];
	s0 =	simm.s32 @p0 $0x1  }
0x13: {  	[smem:$0x3FB7] =	sst s0;
	s0 =	simm.s32 @!p1 $0x0  }
0x14: {  	s2 =	sld [smem:$0x3F9B];
	s0 =	simm.s32 @p1 $0x1  }
0x15: {  	[smem:$0x3FB8] =	sst s0;
	s0 =	simm.s32 @!p2 $0x0  }
0x16: {  	s3 =	sld [smem:$0x3FDB];
	s0 =	simm.s32 @p2 $0x1  }
0x17: {  	s4 =	simm.s32 $0x1BF5;
	[smem:$0x3FBA] =	sst s0  }
0x18: {  	s0 =	sld [smem:$0x3F9D];
	_ =	swait.ge [sflag:s4], $0x0  }
0x19: {  	s7 =	sld [smem:$0x3F9E]  }
0x1a: {  	s8 =	sadd.s32 $0xFFFFE003, lr  }
0x1b: {  	s9 =	sadd.s32 $0xFFFFFEF7, lr;
	s5 =	simm.s32 $0xFFFFFFFF;
	p2 =	slt.u32 s8, $0xFFFFF086  }
0x1c: {  	p1 =	slt.u32 s9, $0xF7A;
	s5 =	simm.s32 @!p2 $0x0  }
0x1d: {  	s5 =	simm.s32 @p1 $0x1;
	p0 =	seq.s32 s7, s2  }
0x1e: {  	s7 =	smul.u32 @!p0 $0xF7A, s2;
	p2 =	seq.s32 @!p0 s5, $0x0  }
0x1f: {  	s9 =	smul.u32 $0xF7A, s1;
	s8 =	simm.s32 @!p0 $0x1BF5;
	p2 =	por !p2, p0  }
0x20: {  	[sflag:s8] =	ssyncset.s32 @!p0 $0xFFFFF086;
	s6 =	sadd.s32 @!p0 s3, s7;
	s7 =	simm.s32 @!p0 $0x108  }
0x21: {  	s3 =	sadd.s32 s3, s9;
	s6 =	sadd.s32 @!p0 $0x88, s6;
	s7 =	simm.s32 @p2 $0x1082  }
0x22: {  	[simem:s7], [sflag:s8] =	dma.local @!p0 [hbm:s6], $0xF7A  }
0x23: {  	s9 =	sor.u32 $0xD0000000, s2;
	s6 =	simm.s32 $0x108;
	_ =	swait.ge @!p0 [sflag:s8], $0x0  }
0x24: {  	s3 =	sadd.s32 $0x88, s3;
	s6 =	simm.s32 @!p1 $0x1082;
	[sflag:s4] =	ssyncset.s32 $0xFFFFF086  }
0x25: {  	[simem:s6], [sflag:s4] =	dma.local [hbm:s3], $0xF7A  }
0x26: {  	[smem:$0x3F9E] =	sst s1;
	(tag) =	ssettag s2;
	_ =	strace s9  }
0x27: {  	s1 =	sld [smem:$0x3FAE]  }
0x28: {  	s2 =	sld [smem:$0x3FAF]  }
0x29: {  	s4 =	sld [smem:$0x3FB1]  }
0x2a: {  	p0 =	seq.s32 s5, $0x0;
	s5 =	sld [smem:$0x3FB2]  }
0x2b: {  	s6 =	sld [smem:$0x3FB3]  }
0x2c: {  	s7 =	sld [smem:$0x3FB4]  }
0x2d: {  	s3 =	simm.s32 $0x108;
	s8 =	sld [smem:$0x3FB5]  }
0x2e: {  	s3 =	simm.s32 @!p0 $0x1082;
	s9 =	sld [smem:$0x3FB6]  }
0x2f: {  	lr =	sadd.s32 s0, s3;
	s0 =	sld [smem:$0x3FAD]  }
0x30: {  	s3 =	sld [smem:$0x3FB0]  }
0x31: {  	[smem:$0x3FB9] =	sst s10  }
0x32: {  	s10 =	sld [smem:$0x3FB7];
	_ =	sdelay $0x3  }
0x33: {  	p0 =	seq.s32 s10, $0x1;
	s10 =	sld [smem:$0x3FB9];
	_ =	sdelay $0x3  }
0x34: {  	[smem:$0x3FB9] =	sst s10  }
0x35: {  	s10 =	sld [smem:$0x3FB8];
	_ =	sdelay $0x3  }
0x36: {  	p1 =	seq.s32 s10, $0x1;
	s10 =	sld [smem:$0x3FB9];
	_ =	sdelay $0x3  }
0x37: {  	[smem:$0x3FB9] =	sst s10  }
0x38: {  	s10 =	sld [smem:$0x3FBA]  }
0x39: {  	_ = 	snop;
	(pc) =	sbr.ind lr, $3  }
0x3a: {  	_ = 	snop  }
0x3b: {  	_ = 	snop  }
0x3c: {  	p2 =	seq.s32 s10, $0x1;
	s10 =	sld [smem:$0x3FB9]  }
0x3d: {  	_ =	shalt  }
0x3e: {  	_ =	shalt  }
0x3f: {  	_ =	shalt  }
0x40: {  	_ =	shalt  }
0x41: {  	_ =	shalt  }
0x42: {  	_ =	shalt  }
0x43: {  	_ =	shalt  }
0x44: {  	_ =	shalt  }
0x45: {  	_ =	shalt  }
0x46: {  	_ =	shalt  }
0x47: {  	_ =	shalt  }
0x48: {  	_ =	shalt  }
0x49: {  	_ =	shalt  }
0x4a: {  	_ =	shalt  }
0x4b: {  	_ =	shalt  }
0x4c: {  	_ =	shalt  }
0x4d: {  	_ =	shalt  }
0x4e: {  	_ =	shalt  }
0x4f: {  	_ =	shalt  }
0x50: {  	_ =	shalt  }
0x51: {  	_ =	shalt  }
0x52: {  	_ =	shalt  }
0x53: {  	_ =	shalt  }
0x54: {  	_ =	shalt  }
0x55: {  	_ =	shalt  }
0x56: {  	_ =	shalt  }
0x57: {  	_ =	shalt  }
0x58: {  	_ =	shalt  }
0x59: {  	_ =	shalt  }
0x5a: {  	_ =	shalt  }
0x5b: {  	_ =	shalt  }
0x5c: {  	_ =	shalt  }
0x5d: {  	_ =	shalt  }
0x5e: {  	_ =	shalt  }
0x5f: {  	_ =	shalt  }
0x60: {  	_ =	shalt  }
0x61: {  	_ =	shalt  }
0x62: {  	_ =	shalt  }
0x63: {  	_ =	shalt  }
0x64: {  	_ =	shalt  }
0x65: {  	_ =	shalt  }
0x66: {  	_ =	shalt  }
0x67: {  	_ =	shalt  }
0x68: {  	_ =	shalt  }
0x69: {  	_ =	shalt  }
0x6a: {  	_ =	shalt  }
0x6b: {  	_ =	shalt  }
0x6c: {  	_ =	shalt  }
0x6d: {  	_ =	shalt  }
0x6e: {  	_ =	shalt  }
0x6f: {  	_ =	shalt  }
0x70: {  	_ =	shalt  }
0x71: {  	_ =	shalt  }
0x72: {  	_ =	shalt  }
0x73: {  	_ =	shalt  }
0x74: {  	_ =	shalt  }
0x75: {  	_ =	shalt  }
0x76: {  	_ =	shalt  }
0x77: {  	_ =	shalt  }
0x78: {  	_ =	shalt  }
0x79: {  	_ =	shalt  }
0x7a: {  	_ =	shalt  }
0x7b: {  	_ =	shalt  }
0x7c: {  	_ =	shalt  }
0x7d: {  	_ =	shalt  }
0x7e: {  	_ =	shalt  }
0x7f: {  	_ =	shalt  }
0x80: {  	_ =	shalt  }
0x81: {  	_ =	shalt  }
0x82: {  	_ =	shalt  }
0x83: {  	_ =	shalt  }
0x84: {  	_ =	shalt  }
0x85: {  	_ =	shalt  }
0x86: {  	_ =	shalt  }
0x87: {  	_ =	shalt  }
.Lfunc_end0:
.L_simem_size_0:
called_computation_lowered:
.L_overlay_start_0:
0x88: {  	s2 =	sld [smem:$0x3FD9]  }
0x89: {  	s3 =	sld [smem:$0x3FFE];
	_ =	sdelay $0x1  }
0x8a: {  	s1 =	srdreg.scid  }
0x8b: {  	s0 =	sand.u32 $0x1, s1  }
0x8c: {  	s17 =	sshll.u32 s0, $0xA;
	s2 =	sadd.s32 s3, s2  }
0x8d: {  	s2 =	sadd.s32 s2, s17  }
0x8e: {  	[smem:$0x3FC5] =	sst s2  }
0x8f: {  	_ = 	snop  }
0x90: {  	s2 =	sld [smem:$0x3FD0];
	(tm) =	ssettm $0x1  }
0x91: {  	s18 =	sld [smem:$0x3FFB];
	_ =	sdelay $0x3  }
0x92: {  	_ =	strace s18  }
0x93: {  	s3 =	sld [smem:$0x3FFC];
	_ =	sdelay $0x3  }
0x94: {  	_ =	strace s3  }
0x95: {  	s3 =	sld [smem:$0x3FFD];
	_ =	sdelay $0x3  }
0x96: {  	_ =	strace s3  }
0x97: {  	_ =	strace $0x8FFFFFFF  }
0x98: {  	s19 =	sld [smem:$0x3FDB];
	_ =	sdelay $0x1  }
0x99: {  	s4 =	simm.s32 $_scs_section_size  }
0x9a: {  	s5 =	simm.s32 $_size__tile_overlayer_lowered;
	s6 =	simm.s32 $_tile_overlayer_lowered  }
0x9b: {  	s22 =	simm.s32 $0x1BFF;
	s21 =	sshll.u32 s6, $0x1;
	s3 =	sadd.s32 s4, s19  }
0x9c: {  	s7 =	simm.s32 $0x0;
	s20 =	sshll.u32 s5, $0x1;
	s5 =	sadd.s32 s21, s3  }
0x9d: {  	[timem:s7], [sflag:s22] =	dma.local [hbm:s5], s20  }
0x9e: {  	_ =	swait.ge [sflag:s22], s20  }
0x9f: {  	s4 =	ssub.s32 $0x0, s20;
	[sflag:s22] =	ssyncset.done $0x0  }
0xa0: {  	[sflag:s22] =	ssyncadd.s32 s4;
	_ =	sdelay $0x1  }
0xa1: {  	s23 =	simm.s32 $0x1B8B  }
0xa2: {  	_ =	swait.ge [sflag:s23], $0x1  }
0xa3: {  	[sflag:s23] =	ssyncset.done $0x0  }
0xa4: {  	s25 =	simm.s32 $0x1B8E;
	s24 =	sld [smem:$0x3FFE];
	[sflag:s23] =	ssyncadd.s32 $0xFFFFFFFF  }
0xa5: {  	s26 =	simm.s32 $execute0_lowered;
	[smem:$0x3FD2] =	sst s25  }
0xa6: {  	s5 =	sshll.u32 s26, $0x1;
	_ =	strace $0x80000046;
	[dreg:$0x1] =	wrdreg $0xFFFFFFFF  }
0xa7: {  	s28 =	simm.s32 $_size_execute0_lowered;
	s3 =	sadd.s32 s3, s5;
	[dreg:$0x0] =	wrdreg $0x0  }
0xa8: {  	s5 =	sshll.u32 s28, $0x1;
	[dreg:$0x2] =	wrdreg s3  }
0xa9: {  	[dreg:$0x3] =	wrdreg s5  }
0xaa: {  	[dreg:$0x4] =	wrdreg $0xC0  }
0xab: {  	_ =	task [dreg:s7], $0x5FFFF  }
0xac: {  	[dreg:$0x1] =	wrdreg $0xFFFFFFFF  }
0xad: {  	[dreg:$0x0] =	wrdreg $0x60  }
0xae: {  	[dreg:$0x2] =	wrdreg s2  }
0xaf: {  	[dreg:$0x3] =	wrdreg s24  }
0xb0: {  	[dreg:$0x4] =	wrdreg $0x120000  }
0xb1: {  	[dreg:$0x5] =	wrdreg $0x9  }
0xb2: {  	_ =	task.clear_ibuf [dreg:s7], $0x6FFFF;
	_ =	strace $0x90000046  }
0xb3: {  	s29 =	simm.s32 $0x9;
	_ =	strace $0x80000048  }
0xb4: {  	_ =	swait.ge [sflag:s29], $0x1  }
0xb5: {  	[sflag:s29] =	ssyncadd.s32 $0xFFFFFFFF  }
0xb6: {  	_ =	strace $0x90000048  }
0xb7: {  	_ =	sfence  }
0xb8: {  	s30 =	sld [smem:$0x0];
	_ =	sdelay $0x2  }
0xb9: {  	s31 =	sshll.u32 s1, $0xD;
	s1 =	sshrl.u32 s1, $0x2  }
0xba: {  	s3 =	sand.u32 $0x4000, s31;
	s1 =	sadd.s32 s1, s30  }
0xbb: {  	s0 =	sor.u32 s3, s0;
	s1 =	sshll.u32 s1, $0x11  }
0xbc: {  	s0 =	sor.u32 s1, s0  }
0xbd: {  	s0 =	sadd.s32 $0x8F2B, s0  }
0xbe: {  	[sflag:s0] =	ssyncadd.remote.s32 $0x1  }
0xbf: {  	_ =	sfence.sel $0xFFFF  }
0xc0: {  	[dreg:$0x0] =	wrdreg $0xFFFFFFFF;
	(pc) =	sbr.abs _section_cstart, $3  }
0xc1: {  	[dreg:$0x1] =	wrdreg $0xFFFFFFFF  }
0xc2: {  	_ =	task.clear_ibuf [dreg:s7], $0x2FFFF;
	_ =	strace $0x9FFFFFFF  }
0xc3: {  	(tm) =	ssettm $0x7FFFFFFF  }
tec
execute0_lowered:
.L_overlay_start_1:
0x0: {  	(tag) =	ssettag $0x1  }
0x1: {  	s0 =	rddreg [dreg:$0x0]  }
0x2: {  	s8 =	rddreg [dreg:$0x1]  }
0x3: {  	s1 =	rddreg [dreg:$0x2];
	s2 =	simm.s32 $0x0  }
0x4: {  	s3 =	srdreg.scid;
	s21 =	stileid.u32;
	s20 =	simm.s32 $0x1000  }
0x5: {  	s28 =	simm.s32 $0x5;
	s29 =	simm.s32 $0x0;
	[smem:$0x7FF] =	sst s2  }
0x6: {  	s16 =	sadd.s32 $0x800, s8;
	s4 =	sand.u32 $0x1, s3;
	s13 =	sadd.s32 $0x40800, s8  }
0x7: {  	s7 =	sshll.u32 s21, $0x11;
	s23 =	sshll.u32 s21, $0xC;
	s25 =	sshll.u32 s21, $0x6  }
0x8: {  	s15 =	sadd.s32 $0x41800, s8;
	s21 =	simm.s32 $0x1;
	_ =	strace $0x80000047  }
0x9: {  	s5 =	ssub.s32 $0x2, s4;
	s4 =	sshll.u32 s4, $0x10;
	s22 =	sshrl.u32 s7, $0x2  }
0xa: {  	s0 =	sadd.s32 s0, s23;
	s23 =	simm.s32 $0xA000;
	s6 =	sshrl.u32 s5, $0x1  }
0xb: {  	s14 =	sor.u32 s4, s7;
	s17 =	sadd.s32 s22, s1;
	[dreg:$0x4] =	wrdreg s0  }
0xc: {  	s22 =	simm.s32 $0x2000;
	s9 =	ssub.s32 s5, s6;
	s24 =	sshrl.u32 s14, $0x3  }
0xd: {  	s6 =	sor.u32 $0x1C06, s25;
	s26 =	sor.u32 $0x2000, s14;
	s10 =	sor.u32 $0x3000, s14  }
0xe: {  	s12 =	sadd.s32 s14, s15;
	s31 =	sor.u32 $0xE000, s14;
	s18 =	sor.u32 $0x5000, s14  }
0xf: {  	s25 =	simm.s32 $0x4;
	s5 =	sadd.s32 s16, s24;
	s0 =	sshrl.u32 s26, $0x3  }
0x10: {  	s8 =	smax.u32 s9, $0x1;
	s30 =	sshrl.u32 s10, $0x3;
	s10 =	sadd.s32 s13, s14  }
0x11: {  	s14 =	sor.u32 $0x4000, s14;
	s13 =	sadd.s32 s13, s31;
	s18 =	sshrl.u32 s18, $0x3  }
0x12: {  	s24 =	simm.s32 $0x2;
	s26 =	simm.s32 $0x3;
	s7 =	sadd.s32 $0x200, s5  }
0x13: {  	s9 =	sadd.s32 s16, s0;
	s11 =	sadd.s32 s16, s30;
	s19 =	sshrl.u32 s14, $0x3  }
0x14: {  	s14 =	sadd.s32 s31, s15;
	s15 =	sadd.s32 s18, s16;
	s0 =	sadd.s32 $0x3000, s10  }
0x15: {  	s18 =	sshrl.u32 s17, $0x3;
	s16 =	sadd.s32 s19, s16;
	s19 =	simm.s32 $0x6  }
.LBB2_1:
0x16: {  	s3 =	rddreg [dreg:$0x4]  }
0x17: {  	[spmem:s18], [sflag:s6] =	dma.local [hbm:s3], $0x1000  }
0x18: {  	_ =	swait.ge [sflag:s19], $0x1000  }
0x19: {  	[sflag:s19] =	ssyncset.done $0x0  }
0x1a: {  	[sflag:s19] =	ssyncadd.s32 $0xFFFFF000  }
0x1b: {  	[bflag:$0x0] =	sbarrier.arrive $0xFFFF  }
0x1c: {  	[tilespmem:s2], [sflag:$0x1] =	stream.linear.gather [hbm4b:s5+s2], $0x1000, $0x38;
	[tilespmem:$0x1A000] =	vst v63  }
0x1d: {  	_ = 	snop  }
0x1e: {  	[tilespmem:s20], [sflag:$0x1] =	stream.linear.gather [hbm4b:s7+s2], $0x1000, $0x38;
	[tilespmem:$0x1A000] =	vst v63  }
0x1f: {  	_ =	swait.ge [sflag:s21], $0x1000  }
0x20: {  	[sflag:s21] =	ssyncset.done $0x0  }
0x21: {  	[sflag:s21] =	ssyncadd.s32 $0xFFFFF000  }
0x22: {  	[tilespmem:s22], [sflag:$0x2] =	stream.indirect.gather [spmem:s1], $0x8, s2, s20, $0xb8;
	[tilespmem:$0x1A000] =	vst v63  }
0x23: {  	_ =	swait.ge [sflag:s21], $0x1000  }
0x24: {  	[sflag:s21] =	ssyncset.done $0x0  }
0x25: {  	[sflag:s21] =	ssyncadd.s32 $0xFFFFF000  }
0x26: {  	[tilespmem:s23], [sflag:$0x3] =	stream.indirect.gather [spmem:s1], $0x8, s20, s20, $0xb8;
	[tilespmem:$0x1A000] =	vst v63  }
0x27: {  	_ =	swait.ge [sflag:s24], $0x8000  }
0x28: {  	[sflag:s24] =	ssyncset.done $0x0  }
0x29: {  	[sflag:s24] =	ssyncadd.s32 $0xFFFF8000  }
0x2a: {  	[tilespmem:s2], [sflag:$0x1] =	stream.linear.gather [hbm4b:s9+s2], $0x1000, $0x38;
	[tilespmem:$0x1A000] =	vst v63  }
0x2b: {  	_ = 	snop  }
0x2c: {  	[hbm4b:s10+s2] =	stream.linear.scatter [tilespmem:s22], [sflag:$0x4], $0x8000, $0x38;
	[tilespmem:$0x1A000] =	vst v63  }
0x2d: {  	_ =	swait.ge [sflag:s21], $0x1000  }
0x2e: {  	[sflag:s21] =	ssyncset.done $0x0  }
0x2f: {  	[sflag:s21] =	ssyncadd.s32 $0xFFFFF000  }
0x30: {  	_ =	swait.ge [sflag:s25], $0x8000  }
0x31: {  	[sflag:s25] =	ssyncset.done $0x0  }
0x32: {  	[sflag:s25] =	ssyncadd.s32 $0xFFFF8000  }
0x33: {  	[tilespmem:s22], [sflag:$0x2] =	stream.indirect.gather [spmem:s1], $0x8, s2, s20, $0xb8;
	[tilespmem:$0x1A000] =	vst v63  }
0x34: {  	_ =	swait.ge [sflag:s26], $0x8000  }
0x35: {  	[sflag:s26] =	ssyncset.done $0x0  }
0x36: {  	[sflag:s26] =	ssyncadd.s32 $0xFFFF8000  }
0x37: {  	[tilespmem:s20], [sflag:$0x1] =	stream.linear.gather [hbm4b:s11+s2], $0x1000, $0x38;
	[tilespmem:$0x1A000] =	vst v63  }
0x38: {  	_ = 	snop  }
0x39: {  	[hbm4b:s12+s2] =	stream.linear.scatter [tilespmem:s23], [sflag:$0x5], $0x8000, $0x38;
	[tilespmem:$0x1A000] =	vst v63  }
0x3a: {  	_ =	swait.ge [sflag:s21], $0x1000  }
0x3b: {  	[sflag:s21] =	ssyncset.done $0x0  }
0x3c: {  	[sflag:s21] =	ssyncadd.s32 $0xFFFFF000  }
0x3d: {  	_ =	swait.ge [sflag:s28], $0x8000  }
0x3e: {  	[sflag:s28] =	ssyncset.done $0x0  }
0x3f: {  	[sflag:s28] =	ssyncadd.s32 $0xFFFF8000  }
0x40: {  	[tilespmem:s23], [sflag:$0x3] =	stream.indirect.gather [spmem:s1], $0x8, s20, s20, $0xb8;
	[tilespmem:$0x1A000] =	vst v63  }
0x41: {  	_ =	swait.ge [sflag:s24], $0x8000  }
0x42: {  	[sflag:s24] =	ssyncset.done $0x0  }
0x43: {  	s17 =	sadd.s32 $0x0, s16;
	[sflag:s24] =	ssyncadd.s32 $0xFFFF8000  }
0x44: {  	[tilespmem:s2], [sflag:$0x1] =	stream.linear.gather [hbm4b:s17+s2], $0x1000, $0x38;
	[tilespmem:$0x1A000] =	vst v63  }
0x45: {  	s3 =	sadd.s32 $0xFFFFF000, s0  }
0x46: {  	[hbm4b:s3+s2] =	stream.linear.scatter [tilespmem:s22], [sflag:$0x4], $0x8000, $0x38;
	[tilespmem:$0x1A000] =	vst v63  }
0x47: {  	_ =	swait.ge [sflag:s21], $0x1000  }
0x48: {  	[sflag:s21] =	ssyncset.done $0x0  }
0x49: {  	[sflag:s21] =	ssyncadd.s32 $0xFFFFF000  }
0x4a: {  	_ =	swait.ge [sflag:s25], $0x8000  }
0x4b: {  	[sflag:s25] =	ssyncset.done $0x0  }
0x4c: {  	[sflag:s25] =	ssyncadd.s32 $0xFFFF8000  }
0x4d: {  	[tilespmem:s22], [sflag:$0x2] =	stream.indirect.gather [spmem:s1], $0x8, s2, s20, $0xb8;
	[tilespmem:$0x1A000] =	vst v63  }
0x4e: {  	_ =	swait.ge [sflag:s26], $0x8000  }
0x4f: {  	s4 =	sadd.s32 $0x0, s15;
	s30 =	simm.s32 $0x400;
	[sflag:s26] =	ssyncset.done $0x0  }
0x50: {  	s31 =	sadd.s32 $0x2000, s0;
	s17 =	smov.u32 s0;
	[sflag:s26] =	ssyncadd.s32 $0xFFFF8000  }
0x51: {  	[tilespmem:s20], [sflag:$0x1] =	stream.linear.gather [hbm4b:s4+s2], $0x1000, $0x38;
	[tilespmem:$0x1A000] =	vst v63  }
.LBB2_2:
0x52: {  	[hbm4b:s17+s2] =	stream.linear.scatter [tilespmem:s23], [sflag:$0x5], $0x8000, $0x38;
	[tilespmem:$0x1A000] =	vst v63  }
0x53: {  	s3 =	smov.u32 s30;
	s17 =	smov.u32 s31  }
0x54: {  	p0 =	sne.s32 s30, $0x1400;
	s30 =	sadd.s32 $0x400, s30;
	_ =	swait.ge [sflag:s21], $0x1000  }
0x55: {  	[sflag:s21] =	ssyncset.done $0x0  }
0x56: {  	[sflag:s21] =	ssyncadd.s32 $0xFFFFF000  }
0x57: {  	_ =	swait.ge [sflag:s28], $0x8000  }
0x58: {  	[sflag:s28] =	ssyncset.done $0x0  }
0x59: {  	[sflag:s28] =	ssyncadd.s32 $0xFFFF8000  }
0x5a: {  	[tilespmem:s23], [sflag:$0x3] =	stream.indirect.gather [spmem:s1], $0x8, s20, s20, $0xb8;
	[tilespmem:$0x1A000] =	vst v63  }
0x5b: {  	_ =	swait.ge [sflag:s24], $0x8000  }
0x5c: {  	[sflag:s24] =	ssyncset.done $0x0  }
0x5d: {  	s4 =	sadd.s32 s3, s16;
	[sflag:s24] =	ssyncadd.s32 $0xFFFF8000  }
0x5e: {  	[tilespmem:s2], [sflag:$0x1] =	stream.linear.gather [hbm4b:s4+s2], $0x1000, $0x38;
	[tilespmem:$0x1A000] =	vst v63  }
0x5f: {  	s4 =	sadd.s32 $0xFFFFF000, s31  }
0x60: {  	[hbm4b:s4+s2] =	stream.linear.scatter [tilespmem:s22], [sflag:$0x4], $0x8000, $0x38;
	[tilespmem:$0x1A000] =	vst v63  }
0x61: {  	_ =	swait.ge [sflag:s21], $0x1000  }
0x62: {  	[sflag:s21] =	ssyncset.done $0x0  }
0x63: {  	[sflag:s21] =	ssyncadd.s32 $0xFFFFF000  }
0x64: {  	_ =	swait.ge [sflag:s25], $0x8000  }
0x65: {  	[sflag:s25] =	ssyncset.done $0x0  }
0x66: {  	[sflag:s25] =	ssyncadd.s32 $0xFFFF8000  }
0x67: {  	[tilespmem:s22], [sflag:$0x2] =	stream.indirect.gather [spmem:s1], $0x8, s2, s20, $0xb8;
	[tilespmem:$0x1A000] =	vst v63  }
.Ltmp0:
0x68: {  	_ =	swait.ge [sflag:s26], $0x8000;
	(pc) =	sbr.rel @p0 .LBB2_2-.Ltmp0, $4  }
0x69: {  	[sflag:s26] =	ssyncset.done $0x0  }
0x6a: {  	s3 =	sadd.s32 s3, s15;
	[sflag:s26] =	ssyncadd.s32 $0xFFFF8000  }
0x6b: {  	[tilespmem:s20], [sflag:$0x1] =	stream.linear.gather [hbm4b:s3+s2], $0x1000, $0x38;
	[tilespmem:$0x1A000] =	vst v63  }
0x6c: {  	s31 =	sadd.s32 $0x2000, s31  }
0x6d: {  	[hbm4b:s17+s2] =	stream.linear.scatter [tilespmem:s23], [sflag:$0x5], $0x8000, $0x38;
	[tilespmem:$0x1A000] =	vst v63  }
0x6e: {  	_ =	swait.ge [sflag:s21], $0x1000  }
0x6f: {  	[sflag:s21] =	ssyncset.done $0x0  }
0x70: {  	[sflag:s21] =	ssyncadd.s32 $0xFFFFF000  }
0x71: {  	_ =	swait.ge [sflag:s28], $0x8000  }
0x72: {  	[sflag:s28] =	ssyncset.done $0x0  }
0x73: {  	[sflag:s28] =	ssyncadd.s32 $0xFFFF8000  }
0x74: {  	[tilespmem:s23], [sflag:$0x3] =	stream.indirect.gather [spmem:s1], $0x8, s20, s20, $0xb8;
	[tilespmem:$0x1A000] =	vst v63  }
0x75: {  	_ =	swait.ge [sflag:s24], $0x8000  }
0x76: {  	[sflag:s24] =	ssyncset.done $0x0  }
0x77: {  	[sflag:s24] =	ssyncadd.s32 $0xFFFF8000  }
0x78: {  	[hbm4b:s13+s2] =	stream.linear.scatter [tilespmem:s22], [sflag:$0x4], $0x8000, $0x38;
	[tilespmem:$0x1A000] =	vst v63  }
0x79: {  	_ =	swait.ge [sflag:s26], $0x8000  }
0x7a: {  	[sflag:s26] =	ssyncset.done $0x0  }
0x7b: {  	s29 =	sadd.s32 $0x1, s29;
	[sflag:s26] =	ssyncadd.s32 $0xFFFF8000  }
0x7c: {  	[hbm4b:s14+s2] =	stream.linear.scatter [tilespmem:s23], [sflag:$0x5], $0x8000, $0x38;
	[tilespmem:$0x1A000] =	vst v63  }
0x7d: {  	p0 =	sne.s32 s29, s8;
	_ =	swait.ge [sflag:s25], $0x8000  }
.Ltmp1:
0x7e: {  	[sflag:s25] =	ssyncset.done $0x0;
	(pc) =	sbr.rel @p0 .LBB2_1-.Ltmp1, $4  }
0x7f: {  	[sflag:s25] =	ssyncadd.s32 $0xFFFF8000  }
0x80: {  	_ =	swait.ge [sflag:s28], $0x8000  }
0x81: {  	[sflag:s28] =	ssyncset.done $0x0  }
0x82: {  	[sflag:s28] =	ssyncadd.s32 $0xFFFF8000  }
0x83: {  	_ =	sfence.sel $0x180000  }
0x84: {  	[bflag:$0x0] =	sbarrier.arrive $0xFFFF  }
0x85: {  	_ =	strace $0x90000047  }
0x86: {  	s0 =	stileid.u32;
	[bflag:$0x2] =	sbarrier.arrive $0xFFFF  }
0x87: {  	p0 =	sne.s32 s0, $0x0;
	s0 =	rddreg [dreg:$0x3]  }
0x88: {  	s0 =	sadd.s32 @!p0 $0x100000, s0  }
0x89: {  	[sflag:s0] =	ssyncadd.tile.s32 @!p0 $0x1;
	_ =	shalt  }
.Lfunc_end2:
_tile_overlayer_lowered:
.L_overlay_start_2:
0x8a: {  	(tag) =	ssettag $0x2  }
0x8b: {  	s0 =	rddreg [dreg:$0x0];
	s2 =	stileid.u32  }
0x8c: {  	s1 =	rddreg [dreg:$0x1];
	p0 =	sne.s32 s2, $0x0  }
0x8d: {  	s3 =	rddreg [dreg:$0x2];
	[bflag:$0x3] =	sbarrier.arrive $0xFFFF;
	s2 =	simm.s32 @!p0 $0x1C06  }
0x8e: {  	[timem:s3], [sflag:s2] =	dma.local @!p0 [hbm:s0], s1  }
0x8f: {  	s0 =	simm.s32 @!p0 $0x6  }
0x90: {  	_ =	swait.ge @!p0 [sflag:s0], s1  }
0x91: {  	s1 =	ssub.s32 @!p0 $0x0, s1;
	[sflag:s0] =	ssyncset.done @!p0 $0x0  }
0x92: {  	[sflag:s0] =	ssyncadd.s32 @!p0 s1  }
0x93: {  	[bflag:$0x3] =	sbarrier.arrive $0xFFFF  }
0x94: {  	_ =	shalt  }

</sc_bundles>
